<compile_context>
chip_gen: v7x
topology: tpu7x:2x2x1
jax: 0.10.2.dev20260603
libtpu: 0.0.44.dev20260713+nightly
codegen_flags: <defaults>
</compile_context>

<pallas_src>
import functools
import jax
import jax.numpy as jnp
from jax import lax
from jax.experimental import pallas as pl
from jax.experimental.pallas import tpu as pltpu
from jax.experimental.pallas import tpu_sc as plsc

_B, _S, _D = 4, 8192, 768
_RANK = 4
_E = 16
_SCALE = 1.0 / _RANK
_F = _RANK * _D

_TS = 4096


def _sc_gather(A2, Bt2, sid):
    mesh = plsc.VectorSubcoreMesh(core_axis_name="c", subcore_axis_name="s")

    @functools.partial(
        pl.kernel,
        mesh=mesh,
        out_type=[
            jax.ShapeDtypeStruct((_B, _F), jnp.float32),
            jax.ShapeDtypeStruct((_B, _F), jnp.float32),
        ],
        scratch_types=[
            pltpu.VMEM((_B,), jnp.int32),
            pltpu.VMEM((_B, _F), jnp.float32),
            pltpu.VMEM((_B, _F), jnp.float32),
            pltpu.SemaphoreType.DMA,
            pltpu.SemaphoreType.DMA,
        ],
    )
    def k(a_hbm, bt_hbm, sid_hbm, outa_hbm, outb_hbm, idx_v, rowsa_v, rowsb_v, sema, semb):
        wid = lax.axis_index("s") * 2 + lax.axis_index("c")

        @pl.when(wid == 0)
        def _():
            pltpu.sync_copy(sid_hbm, idx_v)
            ca = pltpu.async_copy(a_hbm.at[idx_v], rowsa_v, sema)
            cb = pltpu.async_copy(bt_hbm.at[idx_v], rowsb_v, semb)
            ca.wait()
            cb.wait()
            pltpu.sync_copy(rowsa_v, outa_hbm)
            pltpu.sync_copy(rowsb_v, outb_hbm)

    return k(A2, Bt2, sid)


def _fused_kernel(x_ref, Wt_ref, b_ref, A_ref, Bt_ref, out_ref, weff_ref):
    @pl.when(pl.program_id(1) == 0)
    def _build_weff():
        weff_ref[...] = Wt_ref[...] + _SCALE * jnp.dot(
            A_ref[0].T, Bt_ref[0], preferred_element_type=jnp.float32
        )

    out_ref[0] = (
        jnp.dot(x_ref[0], weff_ref[...], preferred_element_type=jnp.float32)
        + b_ref[...]
    )


def kernel(x, subject_id, W, b, lora_A, lora_B):
    Wt = W.T
    Bt = lora_B.transpose(0, 2, 1)
    sid = subject_id.astype(jnp.int32)

    A_sel2, Bt_sel2 = _sc_gather(
        lora_A.reshape(_E, _F), Bt.reshape(_E, _F), sid
    )
    A_sel = A_sel2.reshape(_B, _RANK, _D)
    Bt_sel = Bt_sel2.reshape(_B, _RANK, _D)

    n_s = _S // _TS
    grid_spec = pltpu.PrefetchScalarGridSpec(
        num_scalar_prefetch=0,
        grid=(_B, n_s),
        in_specs=[
            pl.BlockSpec((1, _TS, _D), lambda bb, ss: (bb, ss, 0)),
            pl.BlockSpec((_D, _D), lambda bb, ss: (0, 0)),
            pl.BlockSpec((1, _D), lambda bb, ss: (0, 0)),
            pl.BlockSpec((1, _RANK, _D), lambda bb, ss: (bb, 0, 0)),
            pl.BlockSpec((1, _RANK, _D), lambda bb, ss: (bb, 0, 0)),
        ],
        out_specs=pl.BlockSpec((1, _TS, _D), lambda bb, ss: (bb, ss, 0)),
        scratch_shapes=[pltpu.VMEM((_D, _D), jnp.float32)],
    )

    return pl.pallas_call(
        _fused_kernel,
        grid_spec=grid_spec,
        out_shape=jax.ShapeDtypeStruct((_B, _S, _D), jnp.float32),
        compiler_params=pltpu.CompilerParams(
            dimension_semantics=("arbitrary", "arbitrary"),
            vmem_limit_bytes=100 * 1024 * 1024,
        ),
    )(x, Wt, b.reshape(1, _D), A_sel, Bt_sel)

# --- scband reference (transcript-rebuilt; emitter-appended) ---
"""Pipeline reference for scband-lo-ralinear-per-subject-89489938579617 (READ-ONLY COPY).

The authoritative reference and input builder live on the scoring server;
editing this copy changes nothing except your own understanding.
"""

import jax, jax.numpy as jnp
import numpy as np

B, S, D = 4, 8192, 768
RANK = 4
ALPHA = 1.0
NUM_ADAPTERS = 16

def setup_inputs(seed: int = 0) -> dict:
    key = jax.random.key(seed)
    k1, k2, k3, k4, k5 = jax.random.split(key, 5)
    x = jax.random.normal(k1, (B, S, D), dtype=jnp.float32)
    subject_id = jax.random.randint(k2, (B,), 0, NUM_ADAPTERS)
    W = jax.random.normal(k3, (D, D), dtype=jnp.float32) * 0.02  # linear weight [out, in]
    b = jnp.zeros((D,), dtype=jnp.float32)
    lora_A = jax.random.normal(k4, (NUM_ADAPTERS, RANK, D), dtype=jnp.float32) * 0.02  # [E, r, in]
    lora_B = jax.random.normal(k5, (NUM_ADAPTERS, D, RANK), dtype=jnp.float32) * 0.02  # [E, out, r]
    return {"x": x, "subject_id": subject_id, "W": W, "b": b, "lora_A": lora_A, "lora_B": lora_B}

def reference(x, subject_id, W, b, lora_A, lora_B):
    # base linear: out = x @ W.T + b
    out = jnp.einsum('bsd,od->bso', x, W) + b
    # gather per-batch adapter weights (routing by subject_id)
    A_sel = jnp.take(lora_A, subject_id, axis=0)  # [B, r, in]
    B_sel = jnp.take(lora_B, subject_id, axis=0)  # [B, out, r]
    h = jnp.einsum('bsd,brd->bsr', x, A_sel)      # lora_A[i](x[mask])
    lora_out = jnp.einsum('bsr,bor->bso', h, B_sel)  # lora_B[i](...)
    lora_out = (ALPHA / RANK) * lora_out
    return out + lora_out

if __name__ == "__main__":
    import jax
    _d = setup_inputs()
    print(jax.jit(kernel)(*tuple(_d.values())))

</pallas_src>

<mosaic_0001>
#map = affine_map<(d0, d1) -> (0, 0)>
#map1 = affine_map<(d0, d1) -> (0)>
module attributes {stable_mosaic.version = 14 : i64} {
  func.func @k(%arg0: i32, %arg1: i32, %arg2: memref<16x3072xf32, #tpu.memory_space<hbm>>, %arg3: memref<16x3072xf32, #tpu.memory_space<hbm>>, %arg4: memref<4xi32, #tpu.memory_space<hbm>>, %arg5: memref<4x3072xf32, #tpu.memory_space<hbm>>, %arg6: memref<4x3072xf32, #tpu.memory_space<hbm>>, %arg7: memref<4xi32, #tpu.memory_space<vmem>>, %arg8: memref<4x3072xf32, #tpu.memory_space<vmem>>, %arg9: memref<4x3072xf32, #tpu.memory_space<vmem>>, %arg10: memref<!tpu.dma_semaphore, #tpu.memory_space<semaphore_mem>>, %arg11: memref<!tpu.dma_semaphore, #tpu.memory_space<semaphore_mem>>) attributes {dimension_semantics = [#tpu.dimension_semantics<core_parallel>, #tpu.dimension_semantics<subcore_parallel>], iteration_bounds = array<i64: 2, 16>, scalar_prefetch = 0 : i64, scratch_operands = 5 : i64, tpu.core_type = #tpu.core_type<sc_vector_subcore>, window_params = [{transform_indices = #map}, {transform_indices = #map}, {transform_indices = #map1}, {transform_indices = #map}, {transform_indices = #map}]} {
    %mul3A = arith.constant 2 : i32
    %mul3A_0 = arith.muli %arg1, %mul3A : i32
    %add3A = arith.addi %mul3A_0, %arg0 : i32
    %eq3A = arith.constant 0 : i32
    %eq3A_1 = arith.cmpi eq, %add3A, %eq3A : i32
    %convert_element_type3A = arith.extui %eq3A_1 : i1 to i32
    %cond3A = arith.constant 0 : i32
    %cond3A_2 = arith.cmpi ne, %convert_element_type3A, %cond3A : i32
    scf.if %cond3A_2 {
      "tpu.region"() ({
        %run_scoped3A = tpu.sem_alloc : memref<!tpu.dma_semaphore, #tpu.memory_space<semaphore_mem>>
        tpu.enqueue_dma source(%arg4 : memref<4xi32, #tpu.memory_space<hbm>>) target(%arg7 : memref<4xi32, #tpu.memory_space<vmem>>) target_semaphore(%run_scoped3A : memref<!tpu.dma_semaphore, #tpu.memory_space<semaphore_mem>>)
        tpu.wait_dma2 semaphore(%run_scoped3A : memref<!tpu.dma_semaphore, #tpu.memory_space<semaphore_mem>>) src(%arg4 : memref<4xi32, #tpu.memory_space<hbm>>) dst(%arg7 : memref<4xi32, #tpu.memory_space<vmem>>)
        tpu.yield
      }) : () -> ()
      %dma_start3A = arith.constant 0 : i32
      %dma_start3A_3 = arith.constant 0 : i32
      %dma_start3A_4 = tpu.memref_slice %arg2[%dma_start3A, %dma_start3A_3] : memref<16x3072xf32, #tpu.memory_space<hbm>> -> memref<16x3072xf32, #tpu.memory_space<hbm>>
      tpu.enqueue_indirect_dma source(%dma_start3A_4 : memref<16x3072xf32, #tpu.memory_space<hbm>>) target(%arg8 : memref<4x3072xf32, #tpu.memory_space<vmem>>) offsets(%arg7 : memref<4xi32, #tpu.memory_space<vmem>>) semaphore(%arg10 : memref<!tpu.dma_semaphore, #tpu.memory_space<semaphore_mem>>)
      %dma_start3A_5 = arith.constant 0 : i32
      %dma_start3A_6 = arith.constant 0 : i32
      %dma_start3A_7 = tpu.memref_slice %arg3[%dma_start3A_5, %dma_start3A_6] : memref<16x3072xf32, #tpu.memory_space<hbm>> -> memref<16x3072xf32, #tpu.memory_space<hbm>>
      tpu.enqueue_indirect_dma source(%dma_start3A_7 : memref<16x3072xf32, #tpu.memory_space<hbm>>) target(%arg9 : memref<4x3072xf32, #tpu.memory_space<vmem>>) offsets(%arg7 : memref<4xi32, #tpu.memory_space<vmem>>) semaphore(%arg11 : memref<!tpu.dma_semaphore, #tpu.memory_space<semaphore_mem>>)
      %dma_wait3A = arith.constant 0 : i32
      %dma_wait3A_8 = arith.constant 0 : i32
      %dma_wait3A_9 = tpu.memref_slice %arg2[%dma_wait3A, %dma_wait3A_8] : memref<16x3072xf32, #tpu.memory_space<hbm>> -> memref<16x3072xf32, #tpu.memory_space<hbm>>
      tpu.wait_indirect_dma semaphore(%arg10 : memref<!tpu.dma_semaphore, #tpu.memory_space<semaphore_mem>>) src(%dma_wait3A_9 : memref<16x3072xf32, #tpu.memory_space<hbm>>) dst(%arg8 : memref<4x3072xf32, #tpu.memory_space<vmem>>)
      %dma_wait3A_10 = arith.constant 0 : i32
      %dma_wait3A_11 = arith.constant 0 : i32
      %dma_wait3A_12 = tpu.memref_slice %arg3[%dma_wait3A_10, %dma_wait3A_11] : memref<16x3072xf32, #tpu.memory_space<hbm>> -> memref<16x3072xf32, #tpu.memory_space<hbm>>
      tpu.wait_indirect_dma semaphore(%arg11 : memref<!tpu.dma_semaphore, #tpu.memory_space<semaphore_mem>>) src(%dma_wait3A_12 : memref<16x3072xf32, #tpu.memory_space<hbm>>) dst(%arg9 : memref<4x3072xf32, #tpu.memory_space<vmem>>)
      "tpu.region"() ({
        %run_scoped3A = tpu.sem_alloc : memref<!tpu.dma_semaphore, #tpu.memory_space<semaphore_mem>>
        tpu.enqueue_dma source(%arg8 : memref<4x3072xf32, #tpu.memory_space<vmem>>) target(%arg5 : memref<4x3072xf32, #tpu.memory_space<hbm>>) target_semaphore(%run_scoped3A : memref<!tpu.dma_semaphore, #tpu.memory_space<semaphore_mem>>)
        tpu.wait_dma2 semaphore(%run_scoped3A : memref<!tpu.dma_semaphore, #tpu.memory_space<semaphore_mem>>) src(%arg8 : memref<4x3072xf32, #tpu.memory_space<vmem>>) dst(%arg5 : memref<4x3072xf32, #tpu.memory_space<hbm>>)
        tpu.yield
      }) : () -> ()
      "tpu.region"() ({
        %run_scoped3A = tpu.sem_alloc : memref<!tpu.dma_semaphore, #tpu.memory_space<semaphore_mem>>
        tpu.enqueue_dma source(%arg9 : memref<4x3072xf32, #tpu.memory_space<vmem>>) target(%arg6 : memref<4x3072xf32, #tpu.memory_space<hbm>>) target_semaphore(%run_scoped3A : memref<!tpu.dma_semaphore, #tpu.memory_space<semaphore_mem>>)
        tpu.wait_dma2 semaphore(%run_scoped3A : memref<!tpu.dma_semaphore, #tpu.memory_space<semaphore_mem>>) src(%arg9 : memref<4x3072xf32, #tpu.memory_space<vmem>>) dst(%arg6 : memref<4x3072xf32, #tpu.memory_space<hbm>>)
        tpu.yield
      }) : () -> ()
    } else {
    }
    return
  }
}

module attributes {stable_mosaic.version = 14 : i64} {
  func.func @_fused_kernel(%arg0: i32, %arg1: i32, %arg2: memref<1x4096x768xf32, #tpu.memory_space<vmem>>, %arg3: memref<768x768xf32, #tpu.memory_space<vmem>>, %arg4: memref<1x768xf32, #tpu.memory_space<vmem>>, %arg5: memref<1x4x768xf32, #tpu.memory_space<vmem>>, %arg6: memref<1x4x768xf32, #tpu.memory_space<vmem>>, %arg7: memref<1x4096x768xf32, #tpu.memory_space<vmem>>, %arg8: memref<768x768xf32, #tpu.memory_space<vmem>>) attributes {dimension_semantics = [#tpu.dimension_semantics<arbitrary>, #tpu.dimension_semantics<arbitrary>], iteration_bounds = array<i64: 4, 2>, scalar_prefetch = 0 : i64, scratch_operands = 1 : i64, tpu.core_type = #tpu.core_type<tc>, window_params = [{transform_indices = @transform_0, window_bounds = array<i64: 1, 4096, 768>}, {pipeline_mode = #tpu.pipeline_mode<synchronous>, transform_indices = @transform_1, window_bounds = array<i64: 768, 768>}, {pipeline_mode = #tpu.pipeline_mode<synchronous>, transform_indices = @transform_2, window_bounds = array<i64: 1, 768>}, {transform_indices = @transform_3, window_bounds = array<i64: 1, 4, 768>}, {transform_indices = @transform_4, window_bounds = array<i64: 1, 4, 768>}, {transform_indices = @transform_5, window_bounds = array<i64: 1, 4096, 768>}]} {
    %eq3A = arith.constant 0 : i32
    %eq3A_0 = arith.cmpi eq, %arg1, %eq3A : i32
    %convert_element_type3A = arith.extui %eq3A_0 : i1 to i32
    %cond3A = arith.constant 0 : i32
    %cond3A_1 = arith.cmpi ne, %convert_element_type3A, %cond3A : i32
    scf.if %cond3A_1 {
      %get3A_19 = arith.constant 0 : index
      %get3A_20 = arith.constant 0 : index
      %get3A_21 = vector.load %arg3[%get3A_19, %get3A_20] : memref<768x768xf32, #tpu.memory_space<vmem>>, vector<768x768xf32>
      %get3A_22 = arith.constant 0 : index
      %get3A_23 = arith.constant 0 : index
      %get3A_24 = arith.constant 0 : index
      %get3A_25 = vector.load %arg5[%get3A_22, %get3A_23, %get3A_24] : memref<1x4x768xf32, #tpu.memory_space<vmem>>, vector<1x4x768xf32>
      %get3A_26 = vector.shape_cast %get3A_25 : vector<1x4x768xf32> to vector<4x768xf32>
      %transpose3A = tpu.transpose %get3A_26, [1, 0] : vector<4x768xf32> -> vector<768x4xf32>
      %get3A_27 = arith.constant 0 : index
      %get3A_28 = arith.constant 0 : index
      %get3A_29 = arith.constant 0 : index
      %get3A_30 = vector.load %arg6[%get3A_27, %get3A_28, %get3A_29] : memref<1x4x768xf32, #tpu.memory_space<vmem>>, vector<1x4x768xf32>
      %get3A_31 = vector.shape_cast %get3A_30 : vector<1x4x768xf32> to vector<4x768xf32>
      %dot_general3A_32 = arith.constant dense<0.000000e+00> : vector<768x768xf32>
      %dot_general3A_33 = tpu.matmul %transpose3A, %get3A_31, %dot_general3A_32 {dimension_numbers = #tpu.dot_dimension_numbers<[1], [0], [0], [1], [0, 0, 1, 1], [], []>, transpose_lhs_hint = false} : vector<768x4xf32>, vector<4x768xf32>, vector<768x768xf32> -> vector<768x768xf32>
      %mul3A = arith.constant 2.500000e-01 : f32
      %mul3A_34 = vector.broadcast %mul3A : f32 to vector<768x768xf32>
      %mul3A_35 = arith.mulf %mul3A_34, %dot_general3A_33 : vector<768x768xf32>
      %add3A_36 = arith.addf %get3A_21, %mul3A_35 : vector<768x768xf32>
      %swap3A_37 = arith.constant 0 : index
      %swap3A_38 = arith.constant 0 : index
      %swap3A_39 = vector.load %arg8[%swap3A_37, %swap3A_38] : memref<768x768xf32, #tpu.memory_space<vmem>>, vector<768x768xf32>
      tpu.vector_store %arg8[%swap3A_37, %swap3A_38], %add3A_36 {strides = array<i32>} : memref<768x768xf32, #tpu.memory_space<vmem>>, vector<768x768xf32>,
    } else {
    }
    %get3A = arith.constant 0 : index
    %get3A_2 = arith.constant 0 : index
    %get3A_3 = arith.constant 0 : index
    %get3A_4 = vector.load %arg2[%get3A, %get3A_2, %get3A_3] : memref<1x4096x768xf32, #tpu.memory_space<vmem>>, vector<1x4096x768xf32>
    %get3A_5 = vector.shape_cast %get3A_4 : vector<1x4096x768xf32> to vector<4096x768xf32>
    %get3A_6 = arith.constant 0 : index
    %get3A_7 = arith.constant 0 : index
    %get3A_8 = vector.load %arg8[%get3A_6, %get3A_7] : memref<768x768xf32, #tpu.memory_space<vmem>>, vector<768x768xf32>
    %dot_general3A = arith.constant dense<0.000000e+00> : vector<4096x768xf32>
    %dot_general3A_9 = tpu.matmul %get3A_5, %get3A_8, %dot_general3A {dimension_numbers = #tpu.dot_dimension_numbers<[1], [0], [0], [1], [0, 0, 1, 1], [], []>, transpose_lhs_hint = false} : vector<4096x768xf32>, vector<768x768xf32>, vector<4096x768xf32> -> vector<4096x768xf32>
    %get3A_10 = arith.constant 0 : index
    %get3A_11 = arith.constant 0 : index
    %get3A_12 = vector.load %arg4[%get3A_10, %get3A_11] : memref<1x768xf32, #tpu.memory_space<vmem>>, vector<1x768xf32>
    %add3A = vector.broadcast %get3A_12 : vector<1x768xf32> to vector<4096x768xf32>
    %add3A_13 = arith.addf %dot_general3A_9, %add3A : vector<4096x768xf32>
    %swap3A = arith.constant 0 : index
    %swap3A_14 = arith.constant 0 : index
    %swap3A_15 = arith.constant 0 : index
    %swap3A_16 = vector.load %arg7[%swap3A, %swap3A_14, %swap3A_15] : memref<1x4096x768xf32, #tpu.memory_space<vmem>>, vector<1x4096x768xf32>
    %swap3A_17 = vector.shape_cast %swap3A_16 : vector<1x4096x768xf32> to vector<4096x768xf32>
    %swap3A_18 = vector.shape_cast %add3A_13 : vector<4096x768xf32> to vector<1x4096x768xf32>
    tpu.vector_store %arg7[%swap3A, %swap3A_14, %swap3A_15], %swap3A_18 {strides = array<i32>} : memref<1x4096x768xf32, #tpu.memory_space<vmem>>, vector<1x4096x768xf32>,
    return
  }
  func.func @transform_0(%arg0: i32, %arg1: i32) -> (i32, i32, i32) {
    %c0_i32 = arith.constant 0 : i32
    %c0_i32_0 = arith.constant 0 : i32
    return %arg0, %arg1, %c0_i32 : i32, i32, i32
  }
  func.func @transform_1(%arg0: i32, %arg1: i32) -> (i32, i32) {
    %c0_i32 = arith.constant 0 : i32
    %c0_i32_0 = arith.constant 0 : i32
    %c0_i32_1 = arith.constant 0 : i32
    return %c0_i32, %c0_i32_0 : i32, i32
  }
  func.func @transform_2(%arg0: i32, %arg1: i32) -> (i32, i32) {
    %c0_i32 = arith.constant 0 : i32
    %c0_i32_0 = arith.constant 0 : i32
    %c0_i32_1 = arith.constant 0 : i32
    return %c0_i32, %c0_i32_0 : i32, i32
  }
  func.func @transform_3(%arg0: i32, %arg1: i32) -> (i32, i32, i32) {
    %c0_i32 = arith.constant 0 : i32
    %c0_i32_0 = arith.constant 0 : i32
    %c0_i32_1 = arith.constant 0 : i32
    return %arg0, %c0_i32, %c0_i32_0 : i32, i32, i32
  }
  func.func @transform_4(%arg0: i32, %arg1: i32) -> (i32, i32, i32) {
    %c0_i32 = arith.constant 0 : i32
    %c0_i32_0 = arith.constant 0 : i32
    %c0_i32_1 = arith.constant 0 : i32
    return %arg0, %c0_i32, %c0_i32_0 : i32, i32, i32
  }
  func.func @transform_5(%arg0: i32, %arg1: i32) -> (i32, i32, i32) {
    %c0_i32 = arith.constant 0 : i32
    %c0_i32_0 = arith.constant 0 : i32
    return %arg0, %arg1, %c0_i32 : i32, i32, i32
  }
}

</mosaic_0001>

<sc_bundles>
// kernel: kernel.4.cloned.1.call-start
scs
__scs_entry_jumppad:
0x0: {  	(pc) =	sbr.rel $0x88, $3  }
0x1: {  	(tag) =	ssettag $0x0;
	lr =	simm.s32 $0x1  }
0x2: {  	[smem:$0x3F9B] =	sst lr;
	_ =	strace $0xD0000000  }
0x3: {  	_ = 	snop  }
0x4: {  	_ = 	snop  }
0x5: {  	_ = 	snop  }
0x6: {  	_ = 	snop  }
0x7: {  	_ = 	snop  }
__scs_overlays_trampoline_lowered:
0x8: {  	[smem:$0x3FAA] =	sst s0  }
0x9: {  	[smem:$0x3FAB] =	sst s1  }
0xa: {  	[smem:$0x3FAC] =	sst s2  }
0xb: {  	[smem:$0x3FAD] =	sst s3  }
0xc: {  	[smem:$0x3FAE] =	sst s4  }
0xd: {  	[smem:$0x3FAF] =	sst s5  }
0xe: {  	[smem:$0x3FB0] =	sst s6  }
0xf: {  	[smem:$0x3FB1] =	sst s7  }
0x10: {  	[smem:$0x3FB2] =	sst s8  }
0x11: {  	[smem:$0x3FB3] =	sst s9;
	s0 =	simm.s32 @!p0 $0x0  }
0x12: {  	s1 =	sld [smem:$0x3F99];
	s0 =	simm.s32 @p0 $0x1  }
0x13: {  	[smem:$0x3FB4] =	sst s0;
	s0 =	simm.s32 @!p1 $0x0  }
0x14: {  	s2 =	sld [smem:$0x3F98];
	s0 =	simm.s32 @p1 $0x1  }
0x15: {  	[smem:$0x3FB5] =	sst s0;
	s0 =	simm.s32 @!p2 $0x0  }
0x16: {  	s3 =	sld [smem:$0x3FDB];
	s0 =	simm.s32 @p2 $0x1  }
0x17: {  	s4 =	simm.s32 $0x1BF5;
	[smem:$0x3FB7] =	sst s0  }
0x18: {  	s0 =	sld [smem:$0x3F9A];
	_ =	swait.ge [sflag:s4], $0x0  }
0x19: {  	s7 =	sld [smem:$0x3F9B]  }
0x1a: {  	s8 =	sadd.s32 $0xFFFFE003, lr  }
0x1b: {  	s9 =	sadd.s32 $0xFFFFFEF7, lr;
	s5 =	simm.s32 $0xFFFFFFFF;
	p2 =	slt.u32 s8, $0xFFFFF086  }
0x1c: {  	p1 =	slt.u32 s9, $0xF7A;
	s5 =	simm.s32 @!p2 $0x0  }
0x1d: {  	s5 =	simm.s32 @p1 $0x1;
	p0 =	seq.s32 s7, s2  }
0x1e: {  	s7 =	smul.u32 @!p0 $0xF7A, s2;
	p2 =	seq.s32 @!p0 s5, $0x0  }
0x1f: {  	s9 =	smul.u32 $0xF7A, s1;
	s8 =	simm.s32 @!p0 $0x1BF5;
	p2 =	por !p2, p0  }
0x20: {  	[sflag:s8] =	ssyncset.s32 @!p0 $0xFFFFF086;
	s6 =	sadd.s32 @!p0 s3, s7;
	s7 =	simm.s32 @!p0 $0x108  }
0x21: {  	s3 =	sadd.s32 s3, s9;
	s6 =	sadd.s32 @!p0 $0x88, s6;
	s7 =	simm.s32 @p2 $0x1082  }
0x22: {  	[simem:s7], [sflag:s8] =	dma.local @!p0 [hbm:s6], $0xF7A  }
0x23: {  	s9 =	sor.u32 $0xD0000000, s2;
	s6 =	simm.s32 $0x108;
	_ =	swait.ge @!p0 [sflag:s8], $0x0  }
0x24: {  	s3 =	sadd.s32 $0x88, s3;
	s6 =	simm.s32 @!p1 $0x1082;
	[sflag:s4] =	ssyncset.s32 $0xFFFFF086  }
0x25: {  	[simem:s6], [sflag:s4] =	dma.local [hbm:s3], $0xF7A  }
0x26: {  	[smem:$0x3F9B] =	sst s1;
	(tag) =	ssettag s2;
	_ =	strace s9  }
0x27: {  	s1 =	sld [smem:$0x3FAB]  }
0x28: {  	s2 =	sld [smem:$0x3FAC]  }
0x29: {  	s4 =	sld [smem:$0x3FAE]  }
0x2a: {  	p0 =	seq.s32 s5, $0x0;
	s5 =	sld [smem:$0x3FAF]  }
0x2b: {  	s6 =	sld [smem:$0x3FB0]  }
0x2c: {  	s7 =	sld [smem:$0x3FB1]  }
0x2d: {  	s3 =	simm.s32 $0x108;
	s8 =	sld [smem:$0x3FB2]  }
0x2e: {  	s3 =	simm.s32 @!p0 $0x1082;
	s9 =	sld [smem:$0x3FB3]  }
0x2f: {  	lr =	sadd.s32 s0, s3;
	s0 =	sld [smem:$0x3FAA]  }
0x30: {  	s3 =	sld [smem:$0x3FAD]  }
0x31: {  	[smem:$0x3FB6] =	sst s10  }
0x32: {  	s10 =	sld [smem:$0x3FB4];
	_ =	sdelay $0x3  }
0x33: {  	p0 =	seq.s32 s10, $0x1;
	s10 =	sld [smem:$0x3FB6];
	_ =	sdelay $0x3  }
0x34: {  	[smem:$0x3FB6] =	sst s10  }
0x35: {  	s10 =	sld [smem:$0x3FB5];
	_ =	sdelay $0x3  }
0x36: {  	p1 =	seq.s32 s10, $0x1;
	s10 =	sld [smem:$0x3FB6];
	_ =	sdelay $0x3  }
0x37: {  	[smem:$0x3FB6] =	sst s10  }
0x38: {  	s10 =	sld [smem:$0x3FB7]  }
0x39: {  	_ = 	snop;
	(pc) =	sbr.ind lr, $3  }
0x3a: {  	_ = 	snop  }
0x3b: {  	_ = 	snop  }
0x3c: {  	p2 =	seq.s32 s10, $0x1;
	s10 =	sld [smem:$0x3FB6]  }
0x3d: {  	_ =	shalt  }
0x3e: {  	_ =	shalt  }
0x3f: {  	_ =	shalt  }
0x40: {  	_ =	shalt  }
0x41: {  	_ =	shalt  }
0x42: {  	_ =	shalt  }
0x43: {  	_ =	shalt  }
0x44: {  	_ =	shalt  }
0x45: {  	_ =	shalt  }
0x46: {  	_ =	shalt  }
0x47: {  	_ =	shalt  }
0x48: {  	_ =	shalt  }
0x49: {  	_ =	shalt  }
0x4a: {  	_ =	shalt  }
0x4b: {  	_ =	shalt  }
0x4c: {  	_ =	shalt  }
0x4d: {  	_ =	shalt  }
0x4e: {  	_ =	shalt  }
0x4f: {  	_ =	shalt  }
0x50: {  	_ =	shalt  }
0x51: {  	_ =	shalt  }
0x52: {  	_ =	shalt  }
0x53: {  	_ =	shalt  }
0x54: {  	_ =	shalt  }
0x55: {  	_ =	shalt  }
0x56: {  	_ =	shalt  }
0x57: {  	_ =	shalt  }
0x58: {  	_ =	shalt  }
0x59: {  	_ =	shalt  }
0x5a: {  	_ =	shalt  }
0x5b: {  	_ =	shalt  }
0x5c: {  	_ =	shalt  }
0x5d: {  	_ =	shalt  }
0x5e: {  	_ =	shalt  }
0x5f: {  	_ =	shalt  }
0x60: {  	_ =	shalt  }
0x61: {  	_ =	shalt  }
0x62: {  	_ =	shalt  }
0x63: {  	_ =	shalt  }
0x64: {  	_ =	shalt  }
0x65: {  	_ =	shalt  }
0x66: {  	_ =	shalt  }
0x67: {  	_ =	shalt  }
0x68: {  	_ =	shalt  }
0x69: {  	_ =	shalt  }
0x6a: {  	_ =	shalt  }
0x6b: {  	_ =	shalt  }
0x6c: {  	_ =	shalt  }
0x6d: {  	_ =	shalt  }
0x6e: {  	_ =	shalt  }
0x6f: {  	_ =	shalt  }
0x70: {  	_ =	shalt  }
0x71: {  	_ =	shalt  }
0x72: {  	_ =	shalt  }
0x73: {  	_ =	shalt  }
0x74: {  	_ =	shalt  }
0x75: {  	_ =	shalt  }
0x76: {  	_ =	shalt  }
0x77: {  	_ =	shalt  }
0x78: {  	_ =	shalt  }
0x79: {  	_ =	shalt  }
0x7a: {  	_ =	shalt  }
0x7b: {  	_ =	shalt  }
0x7c: {  	_ =	shalt  }
0x7d: {  	_ =	shalt  }
0x7e: {  	_ =	shalt  }
0x7f: {  	_ =	shalt  }
0x80: {  	_ =	shalt  }
0x81: {  	_ =	shalt  }
0x82: {  	_ =	shalt  }
0x83: {  	_ =	shalt  }
0x84: {  	_ =	shalt  }
0x85: {  	_ =	shalt  }
0x86: {  	_ =	shalt  }
0x87: {  	_ =	shalt  }
.Lfunc_end0:
.L_simem_size_0:
called_computation_lowered:
.L_overlay_start_0:
0x88: {  	s2 =	sld [smem:$0x3FD9]  }
0x89: {  	s3 =	sld [smem:$0x3FFE];
	_ =	sdelay $0x1  }
0x8a: {  	s1 =	srdreg.scid  }
0x8b: {  	s0 =	sand.u32 $0x1, s1  }
0x8c: {  	s17 =	sshll.u32 s0, $0xA;
	s2 =	sadd.s32 s3, s2  }
0x8d: {  	s2 =	sadd.s32 s2, s17  }
0x8e: {  	[smem:$0x3FC2] =	sst s2  }
0x8f: {  	_ = 	snop  }
0x90: {  	s2 =	sld [smem:$0x3FC8]  }
0x91: {  	s18 =	sld [smem:$0x3FD0];
	(tm) =	ssettm $0x1  }
0x92: {  	s4 =	sld [smem:$0x3FFB];
	_ =	sdelay $0x3  }
0x93: {  	_ =	strace s4  }
0x94: {  	s4 =	sld [smem:$0x3FFC];
	_ =	sdelay $0x3  }
0x95: {  	_ =	strace s4  }
0x96: {  	s4 =	sld [smem:$0x3FFD];
	_ =	sdelay $0x3  }
0x97: {  	_ =	strace s4  }
0x98: {  	_ =	strace $0x8FFFFFFF  }
0x99: {  	s19 =	sld [smem:$0x3FDB];
	_ =	sdelay $0x1  }
0x9a: {  	s5 =	simm.s32 $_scs_section_size  }
0x9b: {  	s6 =	simm.s32 $_size__tile_overlayer_lowered;
	s7 =	simm.s32 $_tile_overlayer_lowered  }
0x9c: {  	s22 =	simm.s32 $0x1BFF;
	s21 =	sshll.u32 s7, $0x1;
	s4 =	sadd.s32 s5, s19  }
0x9d: {  	s8 =	simm.s32 $0x0;
	s20 =	sshll.u32 s6, $0x1;
	s6 =	sadd.s32 s21, s4  }
0x9e: {  	[timem:s8], [sflag:s22] =	dma.local [hbm:s6], s20  }
0x9f: {  	_ =	swait.ge [sflag:s22], s20  }
0xa0: {  	s5 =	ssub.s32 $0x0, s20;
	[sflag:s22] =	ssyncset.done $0x0  }
0xa1: {  	[sflag:s22] =	ssyncadd.s32 s5;
	_ =	sdelay $0x1  }
0xa2: {  	s23 =	simm.s32 $0x1B8B  }
0xa3: {  	_ =	swait.ge [sflag:s23], $0x1  }
0xa4: {  	[sflag:s23] =	ssyncset.done $0x0  }
0xa5: {  	s25 =	simm.s32 $0x1B8E;
	s24 =	sld [smem:$0x3FFE];
	[sflag:s23] =	ssyncadd.s32 $0xFFFFFFFF  }
0xa6: {  	s26 =	simm.s32 $execute0_lowered;
	[smem:$0x3FD2] =	sst s25  }
0xa7: {  	s6 =	sshll.u32 s26, $0x1;
	_ =	strace $0x80000046;
	[dreg:$0x1] =	wrdreg $0xFFFFFFFF  }
0xa8: {  	s28 =	simm.s32 $_size_execute0_lowered;
	s4 =	sadd.s32 s4, s6;
	[dreg:$0x0] =	wrdreg $0x0  }
0xa9: {  	s6 =	sshll.u32 s28, $0x1;
	[dreg:$0x2] =	wrdreg s4  }
0xaa: {  	[dreg:$0x3] =	wrdreg s6  }
0xab: {  	[dreg:$0x4] =	wrdreg $0xC0  }
0xac: {  	_ =	task [dreg:s8], $0x5FFFF  }
0xad: {  	[dreg:$0x1] =	wrdreg $0xFFFFFFFF  }
0xae: {  	[dreg:$0x0] =	wrdreg $0x60  }
0xaf: {  	[dreg:$0x2] =	wrdreg s18  }
0xb0: {  	[dreg:$0x3] =	wrdreg s24  }
0xb1: {  	[dreg:$0x4] =	wrdreg s2  }
0xb2: {  	[dreg:$0x5] =	wrdreg $0x9  }
0xb3: {  	_ =	task.clear_ibuf [dreg:s8], $0x6FFFF;
	_ =	strace $0x90000046  }
0xb4: {  	s29 =	simm.s32 $0x9;
	_ =	strace $0x80000048  }
0xb5: {  	_ =	swait.ge [sflag:s29], $0x1  }
0xb6: {  	[sflag:s29] =	ssyncadd.s32 $0xFFFFFFFF  }
0xb7: {  	_ =	strace $0x90000048  }
0xb8: {  	_ =	sfence  }
0xb9: {  	s30 =	sld [smem:$0x0];
	_ =	sdelay $0x2  }
0xba: {  	s31 =	sshll.u32 s1, $0xD;
	s1 =	sshrl.u32 s1, $0x2  }
0xbb: {  	s3 =	sand.u32 $0x4000, s31;
	s1 =	sadd.s32 s1, s30  }
0xbc: {  	s0 =	sor.u32 s3, s0;
	s1 =	sshll.u32 s1, $0x11  }
0xbd: {  	s0 =	sor.u32 s1, s0  }
0xbe: {  	s0 =	sadd.s32 $0x8F2B, s0  }
0xbf: {  	[sflag:s0] =	ssyncadd.remote.s32 $0x1  }
0xc0: {  	_ =	sfence.sel $0xFFFF  }
0xc1: {  	[dreg:$0x0] =	wrdreg $0xFFFFFFFF;
	(pc) =	sbr.abs _section_cstart, $3  }
0xc2: {  	[dreg:$0x1] =	wrdreg $0xFFFFFFFF  }
0xc3: {  	_ =	task.clear_ibuf [dreg:s8], $0x2FFFF;
	_ =	strace $0x9FFFFFFF  }
0xc4: {  	(tm) =	ssettm $0x7FFFFFFF  }
0xc5: {  	_ =	shalt  }
tec
execute0_lowered:
.L_overlay_start_1:
0x0: {  	(tag) =	ssettag $0x1  }
0x1: {  	s1 =	srdreg.scid  }
0x2: {  	s30 =	stileid.u32;
	s10 =	sand.u32 $0x1, s1  }
0x3: {  	s31 =	sshll.u32 s30, $0x1;
	s4 =	ssub.s32 $0x0, s10  }
0x4: {  	p0 =	sne.s32 s31, s4  }
.Ltmp0:
0x5: {  	_ = 	snop;
	(pc) =	sbr.rel @p0 .LBB2_3-.Ltmp0, $4  }
0x6: {  	s0 =	rddreg [dreg:$0x0]  }
0x7: {  	s3 =	rddreg [dreg:$0x2]  }
0x8: {  	[dreg:$0x5] =	wrdreg s3  }
0x9: {  	s2 =	rddreg [dreg:$0x1];
	_ =	strace $0x80000047  }
0xa: {  	s3 =	sadd.s32 $0x800, s2  }
0xb: {  	s4 =	sadd.s32 $0x2600, s2;
	s5 =	sadd.s32 $0x200, s0;
	s6 =	sadd.s32 $0x400, s0  }
0xc: {  	s7 =	sadd.s32 $0x600, s0;
	s8 =	sadd.s32 $0x800, s0;
	s9 =	sadd.s32 $0xA00, s0  }
0xd: {  	s14 =	ssub.s32 $0x2, s10;
	s10 =	sadd.s32 $0xA00, s2;
	s11 =	sadd.s32 $0xC00, s2  }
0xe: {  	s12 =	sadd.s32 $0xE00, s2;
	s13 =	sadd.s32 $0x1000, s2;
	s16 =	simm.s32 $0x0  }
0xf: {  	s17 =	simm.s32 $0x3;
	s18 =	simm.s32 $0x80;
	s19 =	simm.s32 $0x880  }
0x10: {  	s20 =	simm.s32 $0x1080;
	s21 =	simm.s32 $0x1880;
	s22 =	simm.s32 $0x2080  }
0x11: {  	s23 =	simm.s32 $0x2880;
	s24 =	simm.s32 $0x3080;
	s25 =	simm.s32 $0x3880  }
0x12: {  	s26 =	simm.s32 $0x4080;
	s28 =	simm.s32 $0x4880;
	s29 =	simm.s32 $0x5080  }
0x13: {  	v0 =	vlaneseq.u32;
	s30 =	simm.s32 $0x5880;
	s31 =	simm.s32 $0x1;
	s15 =	sshrl.u32 s14, $0x1  }
0x14: {  	[dreg:$0x4] =	wrdreg s3;
	s3 =	sadd.s32 $0x2000, s2;
	v1 =	vshrl.u32 v0, $0x2;
	s15 =	ssub.s32 s14, s15  }
0x15: {  	vm0 =	vmmov $0xffff;
	v0 =	vand.u32 $0x3, v0;
	s14 =	sadd.s32 $0x1200, s2;
	v1 =	vmul.u32 $0x8, v1;
	s2 =	simm.s32 $0x2;
	s15 =	smax.u32 s15, $0x1  }
.LBB2_2:
0x16: {  	s1 =	rddreg [dreg:$0x5]  }
0x17: {  	[tilespmem:s16], [sflag:$0x3] =	stream.linear.gather [hbm4b:s1+s16], $0x80, $0x38;
	[tilespmem:$0x6080] =	vst v63  }
0x18: {  	_ =	swait.ge [sflag:s17], $0x80  }
0x19: {  	[sflag:s17] =	ssyncset.done $0x0  }
0x1a: {  	[sflag:s17] =	ssyncadd.s32 $0xFFFFFF80  }
0x1b: {  	v2 =	vld.msk [tilespmem:$0x0], $0xf;
	_ =	sdelay $0x4  }
0x1c: {  	v3 =	vshrl.u32 v2, $0x3  }
0x1d: {  	v3 =	vmul.u32 $0xC0, v3  }
0x1e: {  	v2 =	vand.u32 $0x7, v2  }
0x1f: {  	v2 =	vor.u32 v2, v3  }
0x20: {  	v2 =	vperm.xlane v2, v0;
	_ =	sdelay $0x1  }
0x21: {  	v2 =	vadd.s32 v1, v2;
	_ =	sdelay $0x4  }
0x22: {  	[tilespmem:s18], [sflag:$0x1] =	stream.indirect_vreg.gather [hbm4b:s0+s16], $0x80, v2, vm0, $0xb8;
	[tilespmem:$0x6080] =	vst v63  }
0x23: {  	_ = 	snop  }
0x24: {  	[tilespmem:s19], [sflag:$0x1] =	stream.indirect_vreg.gather [hbm4b:s5+s16], $0x80, v2, vm0, $0xb8;
	[tilespmem:$0x6080] =	vst v63  }
0x25: {  	_ = 	snop  }
0x26: {  	[tilespmem:s20], [sflag:$0x1] =	stream.indirect_vreg.gather [hbm4b:s6+s16], $0x80, v2, vm0, $0xb8;
	[tilespmem:$0x6080] =	vst v63  }
0x27: {  	_ = 	snop  }
0x28: {  	[tilespmem:s21], [sflag:$0x1] =	stream.indirect_vreg.gather [hbm4b:s7+s16], $0x80, v2, vm0, $0xb8;
	[tilespmem:$0x6080] =	vst v63  }
0x29: {  	_ = 	snop  }
0x2a: {  	[tilespmem:s22], [sflag:$0x1] =	stream.indirect_vreg.gather [hbm4b:s8+s16], $0x80, v2, vm0, $0xb8;
	[tilespmem:$0x6080] =	vst v63  }
0x2b: {  	_ = 	snop  }
0x2c: {  	[tilespmem:s23], [sflag:$0x1] =	stream.indirect_vreg.gather [hbm4b:s9+s16], $0x80, v2, vm0, $0xb8;
	[tilespmem:$0x6080] =	vst v63  }
0x2d: {  	v2 =	vld.msk [tilespmem:$0x0], $0xf;
	_ =	sdelay $0x4  }
0x2e: {  	v3 =	vshrl.u32 v2, $0x3  }
0x2f: {  	v3 =	vmul.u32 $0xC0, v3  }
0x30: {  	v2 =	vand.u32 $0x7, v2  }
0x31: {  	v2 =	vor.u32 v2, v3  }
0x32: {  	v2 =	vperm.xlane v2, v0;
	_ =	sdelay $0x1  }
0x33: {  	v2 =	vadd.s32 v1, v2;
	_ =	sdelay $0x3  }
0x34: {  	s1 =	rddreg [dreg:$0x4]  }
0x35: {  	[tilespmem:s24], [sflag:$0x2] =	stream.indirect_vreg.gather [hbm4b:s1+s16], $0x80, v2, vm0, $0xb8;
	[tilespmem:$0x6080] =	vst v63  }
0x36: {  	_ = 	snop  }
0x37: {  	[tilespmem:s25], [sflag:$0x2] =	stream.indirect_vreg.gather [hbm4b:s10+s16], $0x80, v2, vm0, $0xb8;
	[tilespmem:$0x6080] =	vst v63  }
0x38: {  	_ = 	snop  }
0x39: {  	[tilespmem:s26], [sflag:$0x2] =	stream.indirect_vreg.gather [hbm4b:s11+s16], $0x80, v2, vm0, $0xb8;
	[tilespmem:$0x6080] =	vst v63  }
0x3a: {  	_ = 	snop  }
0x3b: {  	[tilespmem:s28], [sflag:$0x2] =	stream.indirect_vreg.gather [hbm4b:s12+s16], $0x80, v2, vm0, $0xb8;
	[tilespmem:$0x6080] =	vst v63  }
0x3c: {  	_ = 	snop  }
0x3d: {  	[tilespmem:s29], [sflag:$0x2] =	stream.indirect_vreg.gather [hbm4b:s13+s16], $0x80, v2, vm0, $0xb8;
	[tilespmem:$0x6080] =	vst v63  }
0x3e: {  	_ = 	snop  }
0x3f: {  	[tilespmem:s30], [sflag:$0x2] =	stream.indirect_vreg.gather [hbm4b:s14+s16], $0x80, v2, vm0, $0xb8;
	[tilespmem:$0x6080] =	vst v63  }
0x40: {  	_ =	swait.ge [sflag:s31], $0x3000  }
0x41: {  	[sflag:s31] =	ssyncset.done $0x0  }
0x42: {  	[sflag:s31] =	ssyncadd.s32 $0xFFFFD000  }
0x43: {  	_ =	swait.ge [sflag:s2], $0x3000  }
0x44: {  	[sflag:s2] =	ssyncset.done $0x0  }
0x45: {  	[sflag:s2] =	ssyncadd.s32 $0xFFFFD000  }
0x46: {  	[hbm4b:s3+s16] =	stream.linear.scatter [tilespmem:s18], [sflag:$0x3], $0x3000, $0x38;
	[tilespmem:$0x6080] =	vst v63  }
0x47: {  	_ =	swait.ge [sflag:s17], $0x3000  }
0x48: {  	p0 =	sne.s32 s15, $0x1;
	[sflag:s17] =	ssyncset.done $0x0  }
.Ltmp1:
0x49: {  	[sflag:s17] =	ssyncadd.s32 $0xFFFFD000;
	(pc) =	sbr.rel @p0 .LBB2_2-.Ltmp1, $4  }
0x4a: {  	[hbm4b:s4+s16] =	stream.linear.scatter [tilespmem:s24], [sflag:$0x3], $0x3000, $0x38;
	[tilespmem:$0x6080] =	vst v63  }
0x4b: {  	_ =	swait.ge [sflag:s17], $0x3000  }
0x4c: {  	[sflag:s17] =	ssyncset.done $0x0  }
0x4d: {  	s15 =	sadd.s32 $0xFFFFFFFF, s15;
	[sflag:s17] =	ssyncadd.s32 $0xFFFFD000  }
.LBB2_3:
0x4e: {  	_ =	sfence.sel $0x180000  }
0x4f: {  	[bflag:$0x0] =	sbarrier.arrive $0xFFFF  }
0x50: {  	_ =	strace $0x90000047  }
0x51: {  	s0 =	stileid.u32;
	[bflag:$0x2] =	sbarrier.arrive $0xFFFF  }
0x52: {  	p0 =	sne.s32 s0, $0x0;
	s0 =	rddreg [dreg:$0x3]  }
0x53: {  	s0 =	sadd.s32 @!p0 $0x100000, s0  }
0x54: {  	[sflag:s0] =	ssyncadd.tile.s32 @!p0 $0x1;
	_ =	shalt  }
.Lfunc_end2:
_tile_overlayer_lowered:
.L_overlay_start_2:
0x55: {  	(tag) =	ssettag $0x2  }
0x56: {  	s0 =	rddreg [dreg:$0x0];
	s2 =	stileid.u32  }
0x57: {  	s1 =	rddreg [dreg:$0x1];
	p0 =	sne.s32 s2, $0x0  }
0x58: {  	s3 =	rddreg [dreg:$0x2];
	[bflag:$0x3] =	sbarrier.arrive $0xFFFF;
	s2 =	simm.s32 @!p0 $0x1C03  }
0x59: {  	[timem:s3], [sflag:s2] =	dma.local @!p0 [hbm:s0], s1  }
0x5a: {  	s0 =	simm.s32 @!p0 $0x3  }
0x5b: {  	_ =	swait.ge @!p0 [sflag:s0], s1  }
0x5c: {  	s1 =	ssub.s32 @!p0 $0x0, s1;
	[sflag:s0] =	ssyncset.done @!p0 $0x0  }
0x5d: {  	[sflag:s0] =	ssyncadd.s32 @!p0 s1  }
0x5e: {  	[bflag:$0x3] =	sbarrier.arrive $0xFFFF  }
0x5f: {  	_ =	shalt  }

</sc_bundles>
